<compile_context>
chip_gen: v7x
topology: tpu7x:2x2x1
jax: 0.10.2.dev20260603
libtpu: 0.0.44.dev20260713+nightly
codegen_flags: <defaults>
</compile_context>

<pallas_src>
import functools

import jax
import jax.numpy as jnp
from jax import lax
from jax.experimental import pallas as pl
from jax.experimental.pallas import tpu as pltpu
from jax.experimental.pallas import tpu_sc as plsc

_EMB = 128
_HID = 512
_CHUNK = 104
_NCHUNK = 2
_ROWS_W = _CHUNK * _NCHUNK


def _emb_gather(table, idx3):
    nw = idx3.shape[0]
    mesh = plsc.VectorSubcoreMesh(core_axis_name="c", subcore_axis_name="s")

    @functools.partial(
        pl.kernel,
        mesh=mesh,
        out_type=jax.ShapeDtypeStruct((nw * _ROWS_W, _EMB), jnp.float32),
        scratch_types=[
            pltpu.VMEM((_NCHUNK, _CHUNK), jnp.int32),
            pltpu.VMEM((_ROWS_W, _EMB), jnp.float32),
            pltpu.SemaphoreType.DMA,
        ],
    )
    def gather_kernel(table_hbm, idx_hbm, out_hbm, idx_v, rows_v, sem):
        nc = lax.axis_size("c")
        wid = lax.axis_index("s") * nc + lax.axis_index("c")
        pltpu.sync_copy(idx_hbm.at[wid], idx_v)
        cps = []
        for j in range(_NCHUNK):
            cps.append(
                pltpu.async_copy(
                    table_hbm.at[idx_v.at[j]],
                    rows_v.at[pl.ds(j * _CHUNK, _CHUNK)],
                    sem,
                )
            )
        for cp in cps:
            cp.wait()
        pltpu.sync_copy(rows_v, out_hbm.at[pl.ds(wid * _ROWS_W, _ROWS_W)])

    return gather_kernel(table, idx3)


def _cell(a_bf16, c_prev, w_ref, b_ref):
    g = jnp.dot(a_bf16, w_ref[...], preferred_element_type=jnp.float32)
    g = g + b_ref[...]
    i = jax.nn.sigmoid(g[:, :_HID])
    f = jax.nn.sigmoid(g[:, _HID:2 * _HID])
    u = jnp.tanh(g[:, 2 * _HID:3 * _HID])
    o = jax.nn.sigmoid(g[:, 3 * _HID:])
    c = f * c_prev + i * u
    h = o * jnp.tanh(c)
    return h, c


def _lstm2_body(net_ref, len_ref, eos_ref, w0_ref, w1_ref, b0_ref, b1_ref,
                ys_ref, hn_ref, cn_ref, *, t_last):
    b_sz = hn_ref.shape[1]
    z = jnp.zeros((b_sz, _HID), jnp.float32)

    def pair(k, carry):
        h0m2, h0m1, c0_prev, h1_prev, c1_prev = carry
        u0 = 2 * k
        u1 = 2 * k + 1
        s0 = 2 * k - 2
        s1 = 2 * k - 1

        xa = net_ref[pl.ds(jnp.minimum(u0, t_last), 1)][0]
        xa = jnp.where(len_ref[...] == u0, eos_ref[...], xa)
        hA, cA = _cell(
            jnp.concatenate([xa, h0m1], axis=1).astype(jnp.bfloat16),
            c0_prev, w0_ref, b0_ref)
        xb = net_ref[pl.ds(jnp.minimum(u1, t_last), 1)][0]
        xb = jnp.where(len_ref[...] == u1, eos_ref[...], xb)
        hB, cB = _cell(
            jnp.concatenate([xb, hA], axis=1).astype(jnp.bfloat16),
            cA, w0_ref, b0_ref)

        h1A, c1A = _cell(
            jnp.concatenate([h0m2, h1_prev], axis=1).astype(jnp.bfloat16),
            c1_prev, w1_ref, b1_ref)
        h1B, c1B = _cell(
            jnp.concatenate([h0m1, h1A], axis=1).astype(jnp.bfloat16),
            c1A, w1_ref, b1_ref)
        ys_ref[pl.ds(jnp.maximum(s0, 0), 1)] = h1A[None]
        ys_ref[pl.ds(jnp.maximum(s1, 0), 1)] = h1B[None]

        k0a = u0 <= t_last
        k0b = u1 <= t_last
        k1a = (s0 >= 0) & (s0 <= t_last)
        k1b = (s1 >= 0) & (s1 <= t_last)
        return (jnp.where(k0a, hA, h0m2),
                jnp.where(k0b, hB, jnp.where(k0a, hA, h0m1)),
                jnp.where(k0b, cB, jnp.where(k0a, cA, c0_prev)),
                jnp.where(k1b, h1B, jnp.where(k1a, h1A, h1_prev)),
                jnp.where(k1b, c1B, jnp.where(k1a, c1A, c1_prev)))

    n_pairs = t_last // 2 + 1
    h0m2, _, c0, h1p, c1p = lax.fori_loop(0, n_pairs, pair, (z, z, z, z, z))
    h1, c1 = _cell(
        jnp.concatenate([h0m2, h1p], axis=1).astype(jnp.bfloat16),
        c1p, w1_ref, b1_ref)
    ys_ref[pl.ds(t_last, 1)] = h1[None]
    hn_ref[0] = h0m2
    hn_ref[1] = h1
    cn_ref[0] = c0
    cn_ref[1] = c1


def _lstm2(net, lengths2d, eos_row, w0, w1, b0, b1, *, interpret=False):
    tp1, b_sz, _ = net.shape
    t_last = tp1 - 1
    out_shape = [
        jax.ShapeDtypeStruct((tp1, b_sz, _HID), jnp.float32),
        jax.ShapeDtypeStruct((2, b_sz, _HID), jnp.float32),
        jax.ShapeDtypeStruct((2, b_sz, _HID), jnp.float32),
    ]
    return pl.pallas_call(
        functools.partial(_lstm2_body, t_last=t_last),
        out_shape=out_shape,
        interpret=interpret,
    )(net, lengths2d, eos_row, w0, w1, b0, b1)


def kernel(inputs, lengths, emb, Wih0, Whh0, bih0, bhh0, Wih1, Whh1, bih1, bhh1):
    t_sz, b_sz = inputs.shape
    vocab = emb.shape[0] - 1

    x = jnp.concatenate(
        [inputs.astype(jnp.int32), jnp.zeros((1, b_sz), jnp.int32)], axis=0)
    idx_flat = x.reshape(-1)
    n_tok = idx_flat.shape[0]

    info = plsc.get_sparse_core_info()
    nw = info.num_cores * info.num_subcores
    n_pad = nw * _ROWS_W
    idx_pad = jnp.concatenate(
        [idx_flat, jnp.zeros((n_pad - n_tok,), jnp.int32)])
    idx3 = idx_pad.reshape(nw, _NCHUNK, _CHUNK)

    rows = _emb_gather(emb, idx3)
    net = rows[:n_tok].reshape(t_sz + 1, b_sz, _EMB)

    w0 = jnp.concatenate([Wih0, Whh0], axis=1).astype(jnp.bfloat16).T
    w1 = jnp.concatenate([Wih1, Whh1], axis=1).astype(jnp.bfloat16).T
    b0 = (bih0 + bhh0).reshape(1, -1)
    b1 = (bih1 + bhh1).reshape(1, -1)
    lengths2d = lengths.astype(jnp.int32).reshape(b_sz, 1)
    eos_row = emb[vocab].reshape(1, _EMB)

    ys1, hN, cN = _lstm2(net, lengths2d, eos_row, w0, w1, b0, b1)
    return ys1, hN, cN

# --- scband reference (transcript-rebuilt; emitter-appended) ---
"""Pipeline reference for scband-encoder-37014028157008 (READ-ONLY COPY).

The authoritative reference and input builder live on the scoring server;
editing this copy changes nothing except your own understanding.
"""

import jax, jax.numpy as jnp
import numpy as np

VOCAB = 100000
EMB = 128
HID = 512
T = 200
B = 32


def setup_inputs(seed: int = 0) -> dict:
    key = jax.random.key(seed)
    ks = jax.random.split(key, 12)
    inputs = jax.random.randint(ks[0], (T, B), 0, VOCAB)
    lengths = jax.random.randint(ks[1], (B,), 0, T)
    emb = jax.random.normal(ks[2], (VOCAB + 1, EMB), dtype=jnp.float32) * 0.05
    emb = emb.at[1].set(0.0)  # padding_idx=1
    s = 1.0 / np.sqrt(HID)
    def mk(k, shape):
        return jax.random.normal(k, shape, dtype=jnp.float32) * s
    Wih0 = mk(ks[3], (4 * HID, EMB))
    Whh0 = mk(ks[4], (4 * HID, HID))
    bih0 = mk(ks[5], (4 * HID,))
    bhh0 = mk(ks[6], (4 * HID,))
    Wih1 = mk(ks[7], (4 * HID, HID))
    Whh1 = mk(ks[8], (4 * HID, HID))
    bih1 = mk(ks[9], (4 * HID,))
    bhh1 = mk(ks[10], (4 * HID,))
    return dict(inputs=inputs, lengths=lengths, emb=emb,
                Wih0=Wih0, Whh0=Whh0, bih0=bih0, bhh0=bhh0,
                Wih1=Wih1, Whh1=Whh1, bih1=bih1, bhh1=bhh1)


def _lstm_layer(x, Wih, Whh, bih, bhh):
    Bn = x.shape[1]
    H = Whh.shape[1]
    def step(carry, xt):
        h, c = carry
        gates = xt @ Wih.T + h @ Whh.T + bih + bhh
        i, f, g, o = jnp.split(gates, 4, axis=-1)
        i = jax.nn.sigmoid(i)
        f = jax.nn.sigmoid(f)
        g = jnp.tanh(g)
        o = jax.nn.sigmoid(o)
        c = f * c + i * g
        h = o * jnp.tanh(c)
        return (h, c), h
    carry_dtype = jnp.result_type(x.dtype, Wih.dtype, Whh.dtype, bih.dtype, bhh.dtype)
    init = (jnp.zeros((Bn, H), carry_dtype), jnp.zeros((Bn, H), carry_dtype))
    (h, c), ys = jax.lax.scan(step, init, x)
    return ys, h, c


def reference(inputs, lengths, emb, Wih0, Whh0, bih0, bhh0, Wih1, Whh1, bih1, bhh1):
    eos_id = VOCAB
    # add_eos: append a zero timestep (time dim 0, batch dim 1), scatter eos at lengths
    x = jnp.concatenate([inputs, jnp.zeros((1, inputs.shape[1]), inputs.dtype)], axis=0)
    x = x.at[lengths, jnp.arange(inputs.shape[1])].set(eos_id)
    # embedding lookup (dropout p=0.0 is identity)
    net = jnp.take(emb, x, axis=0)
    ys0, h0, c0 = _lstm_layer(net, Wih0, Whh0, bih0, bhh0)
    ys1, h1, c1 = _lstm_layer(ys0, Wih1, Whh1, bih1, bhh1)
    hN = jnp.stack([h0, h1], axis=0)
    cN = jnp.stack([c0, c1], axis=0)
    # EncoderState(outputs=ys1, state=(hN, cN))
    return ys1, hN, cN

if __name__ == "__main__":
    import jax
    _d = setup_inputs()
    print(jax.jit(kernel)(*tuple(_d.values())))

</pallas_src>

<mosaic_0001>
#map = affine_map<(d0, d1) -> (0, 0)>
#map1 = affine_map<(d0, d1) -> (0, 0, 0)>
module attributes {stable_mosaic.version = 14 : i64} {
  func.func @gather_kernel(%arg0: i32, %arg1: i32, %arg2: memref<100001x128xf32, #tpu.memory_space<hbm>>, %arg3: memref<32x2x104xi32, #tpu.memory_space<hbm>>, %arg4: memref<6656x128xf32, #tpu.memory_space<hbm>>, %arg5: memref<2x104xi32, #tpu.memory_space<vmem>>, %arg6: memref<208x128xf32, #tpu.memory_space<vmem>>, %arg7: memref<!tpu.dma_semaphore, #tpu.memory_space<semaphore_mem>>) attributes {dimension_semantics = [#tpu.dimension_semantics<core_parallel>, #tpu.dimension_semantics<subcore_parallel>], iteration_bounds = array<i64: 2, 16>, scalar_prefetch = 0 : i64, scratch_operands = 3 : i64, tpu.core_type = #tpu.core_type<sc_vector_subcore>, window_params = [{transform_indices = #map}, {transform_indices = #map1}, {transform_indices = #map}]} {
    %mul3A = arith.constant 2 : i32
    %mul3A_0 = arith.muli %arg1, %mul3A : i32
    %add3A = arith.addi %mul3A_0, %arg0 : i32
    "tpu.region"() ({
      %run_scoped3A = tpu.sem_alloc : memref<!tpu.dma_semaphore, #tpu.memory_space<semaphore_mem>>
      %dma_start3A_41 = arith.constant 0 : i32
      %dma_start3A_42 = arith.constant 0 : i32
      %dma_start3A_43 = tpu.memref_slice %arg3[%add3A, %dma_start3A_41, %dma_start3A_42] : memref<32x2x104xi32, #tpu.memory_space<hbm>> -> memref<1x2x104xi32, #tpu.memory_space<hbm>>
      %dma_start3A_44 = tpu.memref_squeeze %dma_start3A_43 : memref<1x2x104xi32, #tpu.memory_space<hbm>> -> memref<2x104xi32, #tpu.memory_space<hbm>>
      %dma_start3A_45 = arith.constant 0 : i32
      %dma_start3A_46 = arith.constant 0 : i32
      %dma_start3A_47 = tpu.memref_slice %arg3[%add3A, %dma_start3A_45, %dma_start3A_46] : memref<32x2x104xi32, #tpu.memory_space<hbm>> -> memref<1x2x104xi32, #tpu.memory_space<hbm>>
      %dma_start3A_48 = tpu.memref_squeeze %dma_start3A_47 : memref<1x2x104xi32, #tpu.memory_space<hbm>> -> memref<2x104xi32, #tpu.memory_space<hbm>>
      tpu.enqueue_dma source(%dma_start3A_48 : memref<2x104xi32, #tpu.memory_space<hbm>>) target(%arg5 : memref<2x104xi32, #tpu.memory_space<vmem>>) target_semaphore(%run_scoped3A : memref<!tpu.dma_semaphore, #tpu.memory_space<semaphore_mem>>)
      %dma_wait3A_49 = arith.constant 0 : i32
      %dma_wait3A_50 = arith.constant 0 : i32
      %dma_wait3A_51 = tpu.memref_slice %arg3[%add3A, %dma_wait3A_49, %dma_wait3A_50] : memref<32x2x104xi32, #tpu.memory_space<hbm>> -> memref<1x2x104xi32, #tpu.memory_space<hbm>>
      %dma_wait3A_52 = tpu.memref_squeeze %dma_wait3A_51 : memref<1x2x104xi32, #tpu.memory_space<hbm>> -> memref<2x104xi32, #tpu.memory_space<hbm>>
      %dma_wait3A_53 = arith.constant 0 : i32
      %dma_wait3A_54 = arith.constant 0 : i32
      %dma_wait3A_55 = tpu.memref_slice %arg3[%add3A, %dma_wait3A_53, %dma_wait3A_54] : memref<32x2x104xi32, #tpu.memory_space<hbm>> -> memref<1x2x104xi32, #tpu.memory_space<hbm>>
      %dma_wait3A_56 = tpu.memref_squeeze %dma_wait3A_55 : memref<1x2x104xi32, #tpu.memory_space<hbm>> -> memref<2x104xi32, #tpu.memory_space<hbm>>
      tpu.wait_dma2 semaphore(%run_scoped3A : memref<!tpu.dma_semaphore, #tpu.memory_space<semaphore_mem>>) src(%dma_wait3A_56 : memref<2x104xi32, #tpu.memory_space<hbm>>) dst(%arg5 : memref<2x104xi32, #tpu.memory_space<vmem>>)
      tpu.yield
    }) : () -> ()
    %dma_start3A = arith.constant 0 : i32
    %dma_start3A_1 = arith.constant 0 : i32
    %dma_start3A_2 = arith.constant 0 : i32
    %dma_start3A_3 = tpu.memref_slice %arg6[%dma_start3A_1, %dma_start3A_2] : memref<208x128xf32, #tpu.memory_space<vmem>> -> memref<104x128xf32, #tpu.memory_space<vmem>>
    %dma_start3A_4 = arith.constant 0 : i32
    %dma_start3A_5 = tpu.memref_slice %arg5[%dma_start3A, %dma_start3A_4] : memref<2x104xi32, #tpu.memory_space<vmem>> -> memref<1x104xi32, #tpu.memory_space<vmem>>
    %dma_start3A_6 = tpu.memref_squeeze %dma_start3A_5 : memref<1x104xi32, #tpu.memory_space<vmem>> -> memref<104xi32, #tpu.memory_space<vmem>>
    %dma_start3A_7 = arith.constant 0 : i32
    %dma_start3A_8 = arith.constant 0 : i32
    %dma_start3A_9 = tpu.memref_slice %arg2[%dma_start3A_7, %dma_start3A_8] : memref<100001x128xf32, #tpu.memory_space<hbm>> -> memref<100001x128xf32, #tpu.memory_space<hbm>>
    tpu.enqueue_indirect_dma source(%dma_start3A_9 : memref<100001x128xf32, #tpu.memory_space<hbm>>) target(%dma_start3A_3 : memref<104x128xf32, #tpu.memory_space<vmem>>) offsets(%dma_start3A_6 : memref<104xi32, #tpu.memory_space<vmem>>) semaphore(%arg7 : memref<!tpu.dma_semaphore, #tpu.memory_space<semaphore_mem>>)
    %dma_start3A_10 = arith.constant 1 : i32
    %dma_start3A_11 = arith.constant 104 : i32
    %dma_start3A_12 = arith.constant 0 : i32
    %dma_start3A_13 = tpu.memref_slice %arg6[%dma_start3A_11, %dma_start3A_12] : memref<208x128xf32, #tpu.memory_space<vmem>> -> memref<104x128xf32, #tpu.memory_space<vmem>>
    %dma_start3A_14 = arith.constant 0 : i32
    %dma_start3A_15 = tpu.memref_slice %arg5[%dma_start3A_10, %dma_start3A_14] : memref<2x104xi32, #tpu.memory_space<vmem>> -> memref<1x104xi32, #tpu.memory_space<vmem>>
    %dma_start3A_16 = tpu.memref_squeeze %dma_start3A_15 : memref<1x104xi32, #tpu.memory_space<vmem>> -> memref<104xi32, #tpu.memory_space<vmem>>
    %dma_start3A_17 = arith.constant 0 : i32
    %dma_start3A_18 = arith.constant 0 : i32
    %dma_start3A_19 = tpu.memref_slice %arg2[%dma_start3A_17, %dma_start3A_18] : memref<100001x128xf32, #tpu.memory_space<hbm>> -> memref<100001x128xf32, #tpu.memory_space<hbm>>
    tpu.enqueue_indirect_dma source(%dma_start3A_19 : memref<100001x128xf32, #tpu.memory_space<hbm>>) target(%dma_start3A_13 : memref<104x128xf32, #tpu.memory_space<vmem>>) offsets(%dma_start3A_16 : memref<104xi32, #tpu.memory_space<vmem>>) semaphore(%arg7 : memref<!tpu.dma_semaphore, #tpu.memory_space<semaphore_mem>>)
    %dma_wait3A = arith.constant 0 : i32
    %dma_wait3A_20 = arith.constant 0 : i32
    %dma_wait3A_21 = arith.constant 0 : i32
    %dma_wait3A_22 = tpu.memref_slice %arg6[%dma_wait3A_20, %dma_wait3A_21] : memref<208x128xf32, #tpu.memory_space<vmem>> -> memref<104x128xf32, #tpu.memory_space<vmem>>
    %dma_wait3A_23 = arith.constant 0 : i32
    %dma_wait3A_24 = tpu.memref_slice %arg5[%dma_wait3A, %dma_wait3A_23] : memref<2x104xi32, #tpu.memory_space<vmem>> -> memref<1x104xi32, #tpu.memory_space<vmem>>
    %dma_wait3A_25 = tpu.memref_squeeze %dma_wait3A_24 : memref<1x104xi32, #tpu.memory_space<vmem>> -> memref<104xi32, #tpu.memory_space<vmem>>
    %dma_wait3A_26 = arith.constant 0 : i32
    %dma_wait3A_27 = arith.constant 0 : i32
    %dma_wait3A_28 = tpu.memref_slice %arg2[%dma_wait3A_26, %dma_wait3A_27] : memref<100001x128xf32, #tpu.memory_space<hbm>> -> memref<100001x128xf32, #tpu.memory_space<hbm>>
    tpu.wait_indirect_dma semaphore(%arg7 : memref<!tpu.dma_semaphore, #tpu.memory_space<semaphore_mem>>) src(%dma_wait3A_28 : memref<100001x128xf32, #tpu.memory_space<hbm>>) dst(%dma_wait3A_22 : memref<104x128xf32, #tpu.memory_space<vmem>>)
    %dma_wait3A_29 = arith.constant 1 : i32
    %dma_wait3A_30 = arith.constant 104 : i32
    %dma_wait3A_31 = arith.constant 0 : i32
    %dma_wait3A_32 = tpu.memref_slice %arg6[%dma_wait3A_30, %dma_wait3A_31] : memref<208x128xf32, #tpu.memory_space<vmem>> -> memref<104x128xf32, #tpu.memory_space<vmem>>
    %dma_wait3A_33 = arith.constant 0 : i32
    %dma_wait3A_34 = tpu.memref_slice %arg5[%dma_wait3A_29, %dma_wait3A_33] : memref<2x104xi32, #tpu.memory_space<vmem>> -> memref<1x104xi32, #tpu.memory_space<vmem>>
    %dma_wait3A_35 = tpu.memref_squeeze %dma_wait3A_34 : memref<1x104xi32, #tpu.memory_space<vmem>> -> memref<104xi32, #tpu.memory_space<vmem>>
    %dma_wait3A_36 = arith.constant 0 : i32
    %dma_wait3A_37 = arith.constant 0 : i32
    %dma_wait3A_38 = tpu.memref_slice %arg2[%dma_wait3A_36, %dma_wait3A_37] : memref<100001x128xf32, #tpu.memory_space<hbm>> -> memref<100001x128xf32, #tpu.memory_space<hbm>>
    tpu.wait_indirect_dma semaphore(%arg7 : memref<!tpu.dma_semaphore, #tpu.memory_space<semaphore_mem>>) src(%dma_wait3A_38 : memref<100001x128xf32, #tpu.memory_space<hbm>>) dst(%dma_wait3A_32 : memref<104x128xf32, #tpu.memory_space<vmem>>)
    %mul3A_39 = arith.constant 208 : i32
    %mul3A_40 = arith.muli %add3A, %mul3A_39 : i32
    "tpu.region"() ({
      %run_scoped3A = tpu.sem_alloc : memref<!tpu.dma_semaphore, #tpu.memory_space<semaphore_mem>>
      %dma_start3A_41 = arith.constant 0 : i32
      %dma_start3A_42 = tpu.memref_slice %arg4[%mul3A_40, %dma_start3A_41] : memref<6656x128xf32, #tpu.memory_space<hbm>> -> memref<208x128xf32, #tpu.memory_space<hbm>>
      %dma_start3A_43 = arith.constant 0 : i32
      %dma_start3A_44 = tpu.memref_slice %arg4[%mul3A_40, %dma_start3A_43] : memref<6656x128xf32, #tpu.memory_space<hbm>> -> memref<208x128xf32, #tpu.memory_space<hbm>>
      tpu.enqueue_dma source(%arg6 : memref<208x128xf32, #tpu.memory_space<vmem>>) target(%dma_start3A_44 : memref<208x128xf32, #tpu.memory_space<hbm>>) target_semaphore(%run_scoped3A : memref<!tpu.dma_semaphore, #tpu.memory_space<semaphore_mem>>)
      %dma_wait3A_45 = arith.constant 0 : i32
      %dma_wait3A_46 = tpu.memref_slice %arg4[%mul3A_40, %dma_wait3A_45] : memref<6656x128xf32, #tpu.memory_space<hbm>> -> memref<208x128xf32, #tpu.memory_space<hbm>>
      %dma_wait3A_47 = arith.constant 0 : i32
      %dma_wait3A_48 = tpu.memref_slice %arg4[%mul3A_40, %dma_wait3A_47] : memref<6656x128xf32, #tpu.memory_space<hbm>> -> memref<208x128xf32, #tpu.memory_space<hbm>>
      tpu.wait_dma2 semaphore(%run_scoped3A : memref<!tpu.dma_semaphore, #tpu.memory_space<semaphore_mem>>) src(%arg6 : memref<208x128xf32, #tpu.memory_space<vmem>>) dst(%dma_wait3A_48 : memref<208x128xf32, #tpu.memory_space<hbm>>)
      tpu.yield
    }) : () -> ()
    return
  }
}

module attributes {stable_mosaic.version = 14 : i64} {
  func.func @_lstm2_body(%arg0: memref<201x32x128xf32, #tpu.memory_space<vmem>>, %arg1: memref<32x1xi32, #tpu.memory_space<vmem>>, %arg2: memref<1x128xf32, #tpu.memory_space<vmem>>, %arg3: memref<640x2048xbf16, #tpu.memory_space<vmem>>, %arg4: memref<1024x2048xbf16, #tpu.memory_space<vmem>>, %arg5: memref<1x2048xf32, #tpu.memory_space<vmem>>, %arg6: memref<1x2048xf32, #tpu.memory_space<vmem>>, %arg7: memref<201x32x512xf32, #tpu.memory_space<vmem>>, %arg8: memref<2x32x512xf32, #tpu.memory_space<vmem>>, %arg9: memref<2x32x512xf32, #tpu.memory_space<vmem>>) attributes {dimension_semantics = [], scalar_prefetch = 0 : i64, scratch_operands = 0 : i64, tpu.core_type = #tpu.core_type<tc>} {
    %broadcast_in_dim3A = arith.constant 0.000000e+00 : f32
    %broadcast_in_dim3A_0 = vector.broadcast %broadcast_in_dim3A : f32 to vector<32x512xf32>
    %scan3A = arith.constant 0 : i32
    %scan3A_1 = arith.constant 101 : i32
    %scan3A_2 = arith.addi %scan3A, %scan3A_1 : i32
    %scan3A_3 = arith.constant 1 : i32
    %scan3A_4:5 = scf.for %scan3A_65 = %scan3A to %scan3A_2 step %scan3A_3 iter_args(%scan3A_66 = %broadcast_in_dim3A_0, %scan3A_67 = %broadcast_in_dim3A_0, %scan3A_68 = %broadcast_in_dim3A_0, %scan3A_69 = %broadcast_in_dim3A_0, %scan3A_70 = %broadcast_in_dim3A_0) -> (vector<32x512xf32>, vector<32x512xf32>, vector<32x512xf32>, vector<32x512xf32>, vector<32x512xf32>)  : i32 {
      %mul3A_71 = arith.constant 2 : i32
      %mul3A_72 = arith.muli %mul3A_71, %scan3A_65 : i32
      %mul3A_73 = arith.constant 2 : i32
      %mul3A_74 = arith.muli %mul3A_73, %scan3A_65 : i32
      %add3A_75 = arith.constant 1 : i32
      %add3A_76 = arith.addi %mul3A_74, %add3A_75 : i32
      %mul3A_77 = arith.constant 2 : i32
      %mul3A_78 = arith.muli %mul3A_77, %scan3A_65 : i32
      %sub3A = arith.constant 2 : i32
      %sub3A_79 = arith.subi %mul3A_78, %sub3A : i32
      %mul3A_80 = arith.constant 2 : i32
      %mul3A_81 = arith.muli %mul3A_80, %scan3A_65 : i32
      %sub3A_82 = arith.constant 1 : i32
      %sub3A_83 = arith.subi %mul3A_81, %sub3A_82 : i32
      %min3A = arith.constant 200 : i32
      %min3A_84 = arith.minsi %mul3A_72, %min3A : i32
      %get3A_85 = arith.index_cast %min3A_84 : i32 to index
      %get3A_86 = arith.constant 0 : index
      %get3A_87 = arith.constant 0 : index
      %get3A_88 = vector.load %arg0[%get3A_85, %get3A_86, %get3A_87] : memref<201x32x128xf32, #tpu.memory_space<vmem>>, vector<1x32x128xf32>
      %squeeze3A = vector.shape_cast %get3A_88 : vector<1x32x128xf32> to vector<32x128xf32>
      %get3A_89 = arith.constant 0 : index
      %get3A_90 = arith.constant 0 : index
      %get3A_91 = vector.load %arg1[%get3A_89, %get3A_90] : memref<32x1xi32, #tpu.memory_space<vmem>>, vector<32x1xi32>
      %eq3A = vector.broadcast %mul3A_72 : i32 to vector<32x1xi32>
      %eq3A_92 = arith.cmpi eq, %get3A_91, %eq3A : vector<32x1xi32>
      %get3A_93 = arith.constant 0 : index
      %get3A_94 = arith.constant 0 : index
      %get3A_95 = vector.load %arg2[%get3A_93, %get3A_94] : memref<1x128xf32, #tpu.memory_space<vmem>>, vector<1x128xf32>
      %broadcast_in_dim3A_96 = vector.shape_cast %eq3A_92 : vector<32x1xi1> to vector<32x1xi1>
      %broadcast_in_dim3A_97 = vector.broadcast %broadcast_in_dim3A_96 : vector<32x1xi1> to vector<32x128xi1>
      %broadcast_in_dim3A_98 = vector.shape_cast %get3A_95 : vector<1x128xf32> to vector<1x128xf32>
      %broadcast_in_dim3A_99 = vector.broadcast %broadcast_in_dim3A_98 : vector<1x128xf32> to vector<32x128xf32>
      %select_n3A = arith.select %broadcast_in_dim3A_97, %broadcast_in_dim3A_99, %squeeze3A : vector<32x128xi1>, vector<32x128xf32>
      %concatenate3A_100 = tpu.concatenate %select_n3A, %scan3A_67 in 1 : vector<32x128xf32>, vector<32x512xf32> -> vector<32x640xf32>
      %convert_element_type3A_101 = arith.truncf %concatenate3A_100 : vector<32x640xf32> to vector<32x640xbf16>
      %get3A_102 = arith.constant 0 : index
      %get3A_103 = arith.constant 0 : index
      %get3A_104 = vector.load %arg3[%get3A_102, %get3A_103] : memref<640x2048xbf16, #tpu.memory_space<vmem>>, vector<640x2048xbf16>
      %dot_general3A_105 = arith.constant dense<0.000000e+00> : vector<32x2048xf32>
      %dot_general3A_106 = tpu.matmul %convert_element_type3A_101, %get3A_104, %dot_general3A_105 {dimension_numbers = #tpu.dot_dimension_numbers<[1], [0], [0], [1], [0, 0, 1, 1], [], []>, transpose_lhs_hint = false} : vector<32x640xbf16>, vector<640x2048xbf16>, vector<32x2048xf32> -> vector<32x2048xf32>
      %get3A_107 = arith.constant 0 : index
      %get3A_108 = arith.constant 0 : index
      %get3A_109 = vector.load %arg5[%get3A_107, %get3A_108] : memref<1x2048xf32, #tpu.memory_space<vmem>>, vector<1x2048xf32>
      %add3A_110 = vector.broadcast %get3A_109 : vector<1x2048xf32> to vector<32x2048xf32>
      %add3A_111 = arith.addf %dot_general3A_106, %add3A_110 : vector<32x2048xf32>
      %slice3A_112 = vector.extract_strided_slice %add3A_111 {offsets = [0, 0], sizes = [32, 512], strides = [1, 1]} : vector<32x2048xf32> to vector<32x512xf32>
      %logistic3A_113 = arith.negf %slice3A_112 : vector<32x512xf32>
      %logistic3A_114 = math.exp %logistic3A_113 : vector<32x512xf32>
      %logistic3A_115 = arith.constant 1.000000e+00 : f32
      %logistic3A_116 = vector.broadcast %logistic3A_115 : f32 to vector<32x512xf32>
      %logistic3A_117 = arith.addf %logistic3A_116, %logistic3A_114 : vector<32x512xf32>
      %logistic3A_118 = arith.divf %logistic3A_116, %logistic3A_117 : vector<32x512xf32>
      %slice3A_119 = vector.extract_strided_slice %add3A_111 {offsets = [0, 512], sizes = [32, 512], strides = [1, 1]} : vector<32x2048xf32> to vector<32x512xf32>
      %logistic3A_120 = arith.negf %slice3A_119 : vector<32x512xf32>
      %logistic3A_121 = math.exp %logistic3A_120 : vector<32x512xf32>
      %logistic3A_122 = arith.constant 1.000000e+00 : f32
      %logistic3A_123 = vector.broadcast %logistic3A_122 : f32 to vector<32x512xf32>
      %logistic3A_124 = arith.addf %logistic3A_123, %logistic3A_121 : vector<32x512xf32>
      %logistic3A_125 = arith.divf %logistic3A_123, %logistic3A_124 : vector<32x512xf32>
      %slice3A_126 = vector.extract_strided_slice %add3A_111 {offsets = [0, 1024], sizes = [32, 512], strides = [1, 1]} : vector<32x2048xf32> to vector<32x512xf32>
      %tanh3A_127 = math.tanh %slice3A_126 : vector<32x512xf32>
      %slice3A_128 = vector.extract_strided_slice %add3A_111 {offsets = [0, 1536], sizes = [32, 512], strides = [1, 1]} : vector<32x2048xf32> to vector<32x512xf32>
      %logistic3A_129 = arith.negf %slice3A_128 : vector<32x512xf32>
      %logistic3A_130 = math.exp %logistic3A_129 : vector<32x512xf32>
      %logistic3A_131 = arith.constant 1.000000e+00 : f32
      %logistic3A_132 = vector.broadcast %logistic3A_131 : f32 to vector<32x512xf32>
      %logistic3A_133 = arith.addf %logistic3A_132, %logistic3A_130 : vector<32x512xf32>
      %logistic3A_134 = arith.divf %logistic3A_132, %logistic3A_133 : vector<32x512xf32>
      %mul3A_135 = arith.mulf %logistic3A_125, %scan3A_68 : vector<32x512xf32>
      %mul3A_136 = arith.mulf %logistic3A_118, %tanh3A_127 : vector<32x512xf32>
      %add3A_137 = arith.addf %mul3A_135, %mul3A_136 : vector<32x512xf32>
      %tanh3A_138 = math.tanh %add3A_137 : vector<32x512xf32>
      %mul3A_139 = arith.mulf %logistic3A_134, %tanh3A_138 : vector<32x512xf32>
      %min3A_140 = arith.constant 200 : i32
      %min3A_141 = arith.minsi %add3A_76, %min3A_140 : i32
      %get3A_142 = arith.index_cast %min3A_141 : i32 to index
      %get3A_143 = arith.constant 0 : index
      %get3A_144 = arith.constant 0 : index
      %get3A_145 = vector.load %arg0[%get3A_142, %get3A_143, %get3A_144] : memref<201x32x128xf32, #tpu.memory_space<vmem>>, vector<1x32x128xf32>
      %squeeze3A_146 = vector.shape_cast %get3A_145 : vector<1x32x128xf32> to vector<32x128xf32>
      %get3A_147 = arith.constant 0 : index
      %get3A_148 = arith.constant 0 : index
      %get3A_149 = vector.load %arg1[%get3A_147, %get3A_148] : memref<32x1xi32, #tpu.memory_space<vmem>>, vector<32x1xi32>
      %eq3A_150 = vector.broadcast %add3A_76 : i32 to vector<32x1xi32>
      %eq3A_151 = arith.cmpi eq, %get3A_149, %eq3A_150 : vector<32x1xi32>
      %get3A_152 = arith.constant 0 : index
      %get3A_153 = arith.constant 0 : index
      %get3A_154 = vector.load %arg2[%get3A_152, %get3A_153] : memref<1x128xf32, #tpu.memory_space<vmem>>, vector<1x128xf32>
      %broadcast_in_dim3A_155 = vector.shape_cast %eq3A_151 : vector<32x1xi1> to vector<32x1xi1>
      %broadcast_in_dim3A_156 = vector.broadcast %broadcast_in_dim3A_155 : vector<32x1xi1> to vector<32x128xi1>
      %broadcast_in_dim3A_157 = vector.shape_cast %get3A_154 : vector<1x128xf32> to vector<1x128xf32>
      %broadcast_in_dim3A_158 = vector.broadcast %broadcast_in_dim3A_157 : vector<1x128xf32> to vector<32x128xf32>
      %select_n3A_159 = arith.select %broadcast_in_dim3A_156, %broadcast_in_dim3A_158, %squeeze3A_146 : vector<32x128xi1>, vector<32x128xf32>
      %concatenate3A_160 = tpu.concatenate %select_n3A_159, %mul3A_139 in 1 : vector<32x128xf32>, vector<32x512xf32> -> vector<32x640xf32>
      %convert_element_type3A_161 = arith.truncf %concatenate3A_160 : vector<32x640xf32> to vector<32x640xbf16>
      %get3A_162 = arith.constant 0 : index
      %get3A_163 = arith.constant 0 : index
      %get3A_164 = vector.load %arg3[%get3A_162, %get3A_163] : memref<640x2048xbf16, #tpu.memory_space<vmem>>, vector<640x2048xbf16>
      %dot_general3A_165 = arith.constant dense<0.000000e+00> : vector<32x2048xf32>
      %dot_general3A_166 = tpu.matmul %convert_element_type3A_161, %get3A_164, %dot_general3A_165 {dimension_numbers = #tpu.dot_dimension_numbers<[1], [0], [0], [1], [0, 0, 1, 1], [], []>, transpose_lhs_hint = false} : vector<32x640xbf16>, vector<640x2048xbf16>, vector<32x2048xf32> -> vector<32x2048xf32>
      %get3A_167 = arith.constant 0 : index
      %get3A_168 = arith.constant 0 : index
      %get3A_169 = vector.load %arg5[%get3A_167, %get3A_168] : memref<1x2048xf32, #tpu.memory_space<vmem>>, vector<1x2048xf32>
      %add3A_170 = vector.broadcast %get3A_169 : vector<1x2048xf32> to vector<32x2048xf32>
      %add3A_171 = arith.addf %dot_general3A_166, %add3A_170 : vector<32x2048xf32>
      %slice3A_172 = vector.extract_strided_slice %add3A_171 {offsets = [0, 0], sizes = [32, 512], strides = [1, 1]} : vector<32x2048xf32> to vector<32x512xf32>
      %logistic3A_173 = arith.negf %slice3A_172 : vector<32x512xf32>
      %logistic3A_174 = math.exp %logistic3A_173 : vector<32x512xf32>
      %logistic3A_175 = arith.constant 1.000000e+00 : f32
      %logistic3A_176 = vector.broadcast %logistic3A_175 : f32 to vector<32x512xf32>
      %logistic3A_177 = arith.addf %logistic3A_176, %logistic3A_174 : vector<32x512xf32>
      %logistic3A_178 = arith.divf %logistic3A_176, %logistic3A_177 : vector<32x512xf32>
      %slice3A_179 = vector.extract_strided_slice %add3A_171 {offsets = [0, 512], sizes = [32, 512], strides = [1, 1]} : vector<32x2048xf32> to vector<32x512xf32>
      %logistic3A_180 = arith.negf %slice3A_179 : vector<32x512xf32>
      %logistic3A_181 = math.exp %logistic3A_180 : vector<32x512xf32>
      %logistic3A_182 = arith.constant 1.000000e+00 : f32
      %logistic3A_183 = vector.broadcast %logistic3A_182 : f32 to vector<32x512xf32>
      %logistic3A_184 = arith.addf %logistic3A_183, %logistic3A_181 : vector<32x512xf32>
      %logistic3A_185 = arith.divf %logistic3A_183, %logistic3A_184 : vector<32x512xf32>
      %slice3A_186 = vector.extract_strided_slice %add3A_171 {offsets = [0, 1024], sizes = [32, 512], strides = [1, 1]} : vector<32x2048xf32> to vector<32x512xf32>
      %tanh3A_187 = math.tanh %slice3A_186 : vector<32x512xf32>
      %slice3A_188 = vector.extract_strided_slice %add3A_171 {offsets = [0, 1536], sizes = [32, 512], strides = [1, 1]} : vector<32x2048xf32> to vector<32x512xf32>
      %logistic3A_189 = arith.negf %slice3A_188 : vector<32x512xf32>
      %logistic3A_190 = math.exp %logistic3A_189 : vector<32x512xf32>
      %logistic3A_191 = arith.constant 1.000000e+00 : f32
      %logistic3A_192 = vector.broadcast %logistic3A_191 : f32 to vector<32x512xf32>
      %logistic3A_193 = arith.addf %logistic3A_192, %logistic3A_190 : vector<32x512xf32>
      %logistic3A_194 = arith.divf %logistic3A_192, %logistic3A_193 : vector<32x512xf32>
      %mul3A_195 = arith.mulf %logistic3A_185, %add3A_137 : vector<32x512xf32>
      %mul3A_196 = arith.mulf %logistic3A_178, %tanh3A_187 : vector<32x512xf32>
      %add3A_197 = arith.addf %mul3A_195, %mul3A_196 : vector<32x512xf32>
      %tanh3A_198 = math.tanh %add3A_197 : vector<32x512xf32>
      %mul3A_199 = arith.mulf %logistic3A_194, %tanh3A_198 : vector<32x512xf32>
      %concatenate3A_200 = tpu.concatenate %scan3A_66, %scan3A_69 in 1 : vector<32x512xf32>, vector<32x512xf32> -> vector<32x1024xf32>
      %convert_element_type3A_201 = arith.truncf %concatenate3A_200 : vector<32x1024xf32> to vector<32x1024xbf16>
      %get3A_202 = arith.constant 0 : index
      %get3A_203 = arith.constant 0 : index
      %get3A_204 = vector.load %arg4[%get3A_202, %get3A_203] : memref<1024x2048xbf16, #tpu.memory_space<vmem>>, vector<1024x2048xbf16>
      %dot_general3A_205 = arith.constant dense<0.000000e+00> : vector<32x2048xf32>
      %dot_general3A_206 = tpu.matmul %convert_element_type3A_201, %get3A_204, %dot_general3A_205 {dimension_numbers = #tpu.dot_dimension_numbers<[1], [0], [0], [1], [0, 0, 1, 1], [], []>, transpose_lhs_hint = false} : vector<32x1024xbf16>, vector<1024x2048xbf16>, vector<32x2048xf32> -> vector<32x2048xf32>
      %get3A_207 = arith.constant 0 : index
      %get3A_208 = arith.constant 0 : index
      %get3A_209 = vector.load %arg6[%get3A_207, %get3A_208] : memref<1x2048xf32, #tpu.memory_space<vmem>>, vector<1x2048xf32>
      %add3A_210 = vector.broadcast %get3A_209 : vector<1x2048xf32> to vector<32x2048xf32>
      %add3A_211 = arith.addf %dot_general3A_206, %add3A_210 : vector<32x2048xf32>
      %slice3A_212 = vector.extract_strided_slice %add3A_211 {offsets = [0, 0], sizes = [32, 512], strides = [1, 1]} : vector<32x2048xf32> to vector<32x512xf32>
      %logistic3A_213 = arith.negf %slice3A_212 : vector<32x512xf32>
      %logistic3A_214 = math.exp %logistic3A_213 : vector<32x512xf32>
      %logistic3A_215 = arith.constant 1.000000e+00 : f32
      %logistic3A_216 = vector.broadcast %logistic3A_215 : f32 to vector<32x512xf32>
      %logistic3A_217 = arith.addf %logistic3A_216, %logistic3A_214 : vector<32x512xf32>
      %logistic3A_218 = arith.divf %logistic3A_216, %logistic3A_217 : vector<32x512xf32>
      %slice3A_219 = vector.extract_strided_slice %add3A_211 {offsets = [0, 512], sizes = [32, 512], strides = [1, 1]} : vector<32x2048xf32> to vector<32x512xf32>
      %logistic3A_220 = arith.negf %slice3A_219 : vector<32x512xf32>
      %logistic3A_221 = math.exp %logistic3A_220 : vector<32x512xf32>
      %logistic3A_222 = arith.constant 1.000000e+00 : f32
      %logistic3A_223 = vector.broadcast %logistic3A_222 : f32 to vector<32x512xf32>
      %logistic3A_224 = arith.addf %logistic3A_223, %logistic3A_221 : vector<32x512xf32>
      %logistic3A_225 = arith.divf %logistic3A_223, %logistic3A_224 : vector<32x512xf32>
      %slice3A_226 = vector.extract_strided_slice %add3A_211 {offsets = [0, 1024], sizes = [32, 512], strides = [1, 1]} : vector<32x2048xf32> to vector<32x512xf32>
      %tanh3A_227 = math.tanh %slice3A_226 : vector<32x512xf32>
      %slice3A_228 = vector.extract_strided_slice %add3A_211 {offsets = [0, 1536], sizes = [32, 512], strides = [1, 1]} : vector<32x2048xf32> to vector<32x512xf32>
      %logistic3A_229 = arith.negf %slice3A_228 : vector<32x512xf32>
      %logistic3A_230 = math.exp %logistic3A_229 : vector<32x512xf32>
      %logistic3A_231 = arith.constant 1.000000e+00 : f32
      %logistic3A_232 = vector.broadcast %logistic3A_231 : f32 to vector<32x512xf32>
      %logistic3A_233 = arith.addf %logistic3A_232, %logistic3A_230 : vector<32x512xf32>
      %logistic3A_234 = arith.divf %logistic3A_232, %logistic3A_233 : vector<32x512xf32>
      %mul3A_235 = arith.mulf %logistic3A_225, %scan3A_70 : vector<32x512xf32>
      %mul3A_236 = arith.mulf %logistic3A_218, %tanh3A_227 : vector<32x512xf32>
      %add3A_237 = arith.addf %mul3A_235, %mul3A_236 : vector<32x512xf32>
      %tanh3A_238 = math.tanh %add3A_237 : vector<32x512xf32>
      %mul3A_239 = arith.mulf %logistic3A_234, %tanh3A_238 : vector<32x512xf32>
      %concatenate3A_240 = tpu.concatenate %scan3A_67, %mul3A_239 in 1 : vector<32x512xf32>, vector<32x512xf32> -> vector<32x1024xf32>
      %convert_element_type3A_241 = arith.truncf %concatenate3A_240 : vector<32x1024xf32> to vector<32x1024xbf16>
      %get3A_242 = arith.constant 0 : index
      %get3A_243 = arith.constant 0 : index
      %get3A_244 = vector.load %arg4[%get3A_242, %get3A_243] : memref<1024x2048xbf16, #tpu.memory_space<vmem>>, vector<1024x2048xbf16>
      %dot_general3A_245 = arith.constant dense<0.000000e+00> : vector<32x2048xf32>
      %dot_general3A_246 = tpu.matmul %convert_element_type3A_241, %get3A_244, %dot_general3A_245 {dimension_numbers = #tpu.dot_dimension_numbers<[1], [0], [0], [1], [0, 0, 1, 1], [], []>, transpose_lhs_hint = false} : vector<32x1024xbf16>, vector<1024x2048xbf16>, vector<32x2048xf32> -> vector<32x2048xf32>
      %get3A_247 = arith.constant 0 : index
      %get3A_248 = arith.constant 0 : index
      %get3A_249 = vector.load %arg6[%get3A_247, %get3A_248] : memref<1x2048xf32, #tpu.memory_space<vmem>>, vector<1x2048xf32>
      %add3A_250 = vector.broadcast %get3A_249 : vector<1x2048xf32> to vector<32x2048xf32>
      %add3A_251 = arith.addf %dot_general3A_246, %add3A_250 : vector<32x2048xf32>
      %slice3A_252 = vector.extract_strided_slice %add3A_251 {offsets = [0, 0], sizes = [32, 512], strides = [1, 1]} : vector<32x2048xf32> to vector<32x512xf32>
      %logistic3A_253 = arith.negf %slice3A_252 : vector<32x512xf32>
      %logistic3A_254 = math.exp %logistic3A_253 : vector<32x512xf32>
      %logistic3A_255 = arith.constant 1.000000e+00 : f32
      %logistic3A_256 = vector.broadcast %logistic3A_255 : f32 to vector<32x512xf32>
      %logistic3A_257 = arith.addf %logistic3A_256, %logistic3A_254 : vector<32x512xf32>
      %logistic3A_258 = arith.divf %logistic3A_256, %logistic3A_257 : vector<32x512xf32>
      %slice3A_259 = vector.extract_strided_slice %add3A_251 {offsets = [0, 512], sizes = [32, 512], strides = [1, 1]} : vector<32x2048xf32> to vector<32x512xf32>
      %logistic3A_260 = arith.negf %slice3A_259 : vector<32x512xf32>
      %logistic3A_261 = math.exp %logistic3A_260 : vector<32x512xf32>
      %logistic3A_262 = arith.constant 1.000000e+00 : f32
      %logistic3A_263 = vector.broadcast %logistic3A_262 : f32 to vector<32x512xf32>
      %logistic3A_264 = arith.addf %logistic3A_263, %logistic3A_261 : vector<32x512xf32>
      %logistic3A_265 = arith.divf %logistic3A_263, %logistic3A_264 : vector<32x512xf32>
      %slice3A_266 = vector.extract_strided_slice %add3A_251 {offsets = [0, 1024], sizes = [32, 512], strides = [1, 1]} : vector<32x2048xf32> to vector<32x512xf32>
      %tanh3A_267 = math.tanh %slice3A_266 : vector<32x512xf32>
      %slice3A_268 = vector.extract_strided_slice %add3A_251 {offsets = [0, 1536], sizes = [32, 512], strides = [1, 1]} : vector<32x2048xf32> to vector<32x512xf32>
      %logistic3A_269 = arith.negf %slice3A_268 : vector<32x512xf32>
      %logistic3A_270 = math.exp %logistic3A_269 : vector<32x512xf32>
      %logistic3A_271 = arith.constant 1.000000e+00 : f32
      %logistic3A_272 = vector.broadcast %logistic3A_271 : f32 to vector<32x512xf32>
      %logistic3A_273 = arith.addf %logistic3A_272, %logistic3A_270 : vector<32x512xf32>
      %logistic3A_274 = arith.divf %logistic3A_272, %logistic3A_273 : vector<32x512xf32>
      %mul3A_275 = arith.mulf %logistic3A_265, %add3A_237 : vector<32x512xf32>
      %mul3A_276 = arith.mulf %logistic3A_258, %tanh3A_267 : vector<32x512xf32>
      %add3A_277 = arith.addf %mul3A_275, %mul3A_276 : vector<32x512xf32>
      %tanh3A_278 = math.tanh %add3A_277 : vector<32x512xf32>
      %mul3A_279 = arith.mulf %logistic3A_274, %tanh3A_278 : vector<32x512xf32>
      %broadcast_in_dim3A_280 = vector.shape_cast %mul3A_239 : vector<32x512xf32> to vector<1x32x512xf32>
      %max3A = arith.constant 0 : i32
      %max3A_281 = arith.maxsi %sub3A_79, %max3A : i32
      %swap3A_282 = arith.index_cast %max3A_281 : i32 to index
      %swap3A_283 = arith.constant 0 : index
      %swap3A_284 = arith.constant 0 : index
      %swap3A_285 = vector.load %arg7[%swap3A_282, %swap3A_283, %swap3A_284] : memref<201x32x512xf32, #tpu.memory_space<vmem>>, vector<1x32x512xf32>
      tpu.vector_store %arg7[%swap3A_282, %swap3A_283, %swap3A_284], %broadcast_in_dim3A_280 {strides = array<i32>} : memref<201x32x512xf32, #tpu.memory_space<vmem>>, vector<1x32x512xf32>,
      %broadcast_in_dim3A_286 = vector.shape_cast %mul3A_279 : vector<32x512xf32> to vector<1x32x512xf32>
      %max3A_287 = arith.constant 0 : i32
      %max3A_288 = arith.maxsi %sub3A_83, %max3A_287 : i32
      %swap3A_289 = arith.index_cast %max3A_288 : i32 to index
      %swap3A_290 = arith.constant 0 : index
      %swap3A_291 = arith.constant 0 : index
      %swap3A_292 = vector.load %arg7[%swap3A_289, %swap3A_290, %swap3A_291] : memref<201x32x512xf32, #tpu.memory_space<vmem>>, vector<1x32x512xf32>
      tpu.vector_store %arg7[%swap3A_289, %swap3A_290, %swap3A_291], %broadcast_in_dim3A_286 {strides = array<i32>} : memref<201x32x512xf32, #tpu.memory_space<vmem>>, vector<1x32x512xf32>,
      %le3A = arith.constant 200 : i32
      %le3A_293 = arith.cmpi sle, %mul3A_72, %le3A : i32
      %le3A_294 = arith.constant 200 : i32
      %le3A_295 = arith.cmpi sle, %add3A_76, %le3A_294 : i32
      %ge3A = arith.constant 0 : i32
      %ge3A_296 = arith.cmpi sge, %sub3A_79, %ge3A : i32
      %le3A_297 = arith.constant 200 : i32
      %le3A_298 = arith.cmpi sle, %sub3A_79, %le3A_297 : i32
      %and3A = arith.andi %ge3A_296, %le3A_298 : i1
      %ge3A_299 = arith.constant 0 : i32
      %ge3A_300 = arith.cmpi sge, %sub3A_83, %ge3A_299 : i32
      %le3A_301 = arith.constant 200 : i32
      %le3A_302 = arith.cmpi sle, %sub3A_83, %le3A_301 : i32
      %and3A_303 = arith.andi %ge3A_300, %le3A_302 : i1
      %select_n3A_304 = arith.select %le3A_293, %mul3A_139, %scan3A_66 : vector<32x512xf32>
      %select_n3A_305 = arith.select %le3A_293, %mul3A_139, %scan3A_67 : vector<32x512xf32>
      %select_n3A_306 = arith.select %le3A_295, %mul3A_199, %select_n3A_305 : vector<32x512xf32>
      %select_n3A_307 = arith.select %le3A_293, %add3A_137, %scan3A_68 : vector<32x512xf32>
      %select_n3A_308 = arith.select %le3A_295, %add3A_197, %select_n3A_307 : vector<32x512xf32>
      %select_n3A_309 = arith.select %and3A, %mul3A_239, %scan3A_69 : vector<32x512xf32>
      %select_n3A_310 = arith.select %and3A_303, %mul3A_279, %select_n3A_309 : vector<32x512xf32>
      %select_n3A_311 = arith.select %and3A, %add3A_237, %scan3A_70 : vector<32x512xf32>
      %select_n3A_312 = arith.select %and3A_303, %add3A_277, %select_n3A_311 : vector<32x512xf32>
      scf.yield %select_n3A_304, %select_n3A_306, %select_n3A_308, %select_n3A_310, %select_n3A_312 : vector<32x512xf32>, vector<32x512xf32>, vector<32x512xf32>, vector<32x512xf32>, vector<32x512xf32>
    }
    %scan3A_5 = arith.constant 101 : i32
    %concatenate3A = tpu.concatenate %scan3A_4#0, %scan3A_4#3 in 1 : vector<32x512xf32>, vector<32x512xf32> -> vector<32x1024xf32>
    %convert_element_type3A = arith.truncf %concatenate3A : vector<32x1024xf32> to vector<32x1024xbf16>
    %get3A = arith.constant 0 : index
    %get3A_6 = arith.constant 0 : index
    %get3A_7 = vector.load %arg4[%get3A, %get3A_6] : memref<1024x2048xbf16, #tpu.memory_space<vmem>>, vector<1024x2048xbf16>
    %dot_general3A = arith.constant dense<0.000000e+00> : vector<32x2048xf32>
    %dot_general3A_8 = tpu.matmul %convert_element_type3A, %get3A_7, %dot_general3A {dimension_numbers = #tpu.dot_dimension_numbers<[1], [0], [0], [1], [0, 0, 1, 1], [], []>, transpose_lhs_hint = false} : vector<32x1024xbf16>, vector<1024x2048xbf16>, vector<32x2048xf32> -> vector<32x2048xf32>
    %get3A_9 = arith.constant 0 : index
    %get3A_10 = arith.constant 0 : index
    %get3A_11 = vector.load %arg6[%get3A_9, %get3A_10] : memref<1x2048xf32, #tpu.memory_space<vmem>>, vector<1x2048xf32>
    %add3A = vector.broadcast %get3A_11 : vector<1x2048xf32> to vector<32x2048xf32>
    %add3A_12 = arith.addf %dot_general3A_8, %add3A : vector<32x2048xf32>
    %slice3A = vector.extract_strided_slice %add3A_12 {offsets = [0, 0], sizes = [32, 512], strides = [1, 1]} : vector<32x2048xf32> to vector<32x512xf32>
    %logistic3A = arith.negf %slice3A : vector<32x512xf32>
    %logistic3A_13 = math.exp %logistic3A : vector<32x512xf32>
    %logistic3A_14 = arith.constant 1.000000e+00 : f32
    %logistic3A_15 = vector.broadcast %logistic3A_14 : f32 to vector<32x512xf32>
    %logistic3A_16 = arith.addf %logistic3A_15, %logistic3A_13 : vector<32x512xf32>
    %logistic3A_17 = arith.divf %logistic3A_15, %logistic3A_16 : vector<32x512xf32>
    %slice3A_18 = vector.extract_strided_slice %add3A_12 {offsets = [0, 512], sizes = [32, 512], strides = [1, 1]} : vector<32x2048xf32> to vector<32x512xf32>
    %logistic3A_19 = arith.negf %slice3A_18 : vector<32x512xf32>
    %logistic3A_20 = math.exp %logistic3A_19 : vector<32x512xf32>
    %logistic3A_21 = arith.constant 1.000000e+00 : f32
    %logistic3A_22 = vector.broadcast %logistic3A_21 : f32 to vector<32x512xf32>
    %logistic3A_23 = arith.addf %logistic3A_22, %logistic3A_20 : vector<32x512xf32>
    %logistic3A_24 = arith.divf %logistic3A_22, %logistic3A_23 : vector<32x512xf32>
    %slice3A_25 = vector.extract_strided_slice %add3A_12 {offsets = [0, 1024], sizes = [32, 512], strides = [1, 1]} : vector<32x2048xf32> to vector<32x512xf32>
    %tanh3A = math.tanh %slice3A_25 : vector<32x512xf32>
    %slice3A_26 = vector.extract_strided_slice %add3A_12 {offsets = [0, 1536], sizes = [32, 512], strides = [1, 1]} : vector<32x2048xf32> to vector<32x512xf32>
    %logistic3A_27 = arith.negf %slice3A_26 : vector<32x512xf32>
    %logistic3A_28 = math.exp %logistic3A_27 : vector<32x512xf32>
    %logistic3A_29 = arith.constant 1.000000e+00 : f32
    %logistic3A_30 = vector.broadcast %logistic3A_29 : f32 to vector<32x512xf32>
    %logistic3A_31 = arith.addf %logistic3A_30, %logistic3A_28 : vector<32x512xf32>
    %logistic3A_32 = arith.divf %logistic3A_30, %logistic3A_31 : vector<32x512xf32>
    %mul3A = arith.mulf %logistic3A_24, %scan3A_4#4 : vector<32x512xf32>
    %mul3A_33 = arith.mulf %logistic3A_17, %tanh3A : vector<32x512xf32>
    %add3A_34 = arith.addf %mul3A, %mul3A_33 : vector<32x512xf32>
    %tanh3A_35 = math.tanh %add3A_34 : vector<32x512xf32>
    %mul3A_36 = arith.mulf %logistic3A_32, %tanh3A_35 : vector<32x512xf32>
    %broadcast_in_dim3A_37 = vector.shape_cast %mul3A_36 : vector<32x512xf32> to vector<1x32x512xf32>
    %swap3A = arith.constant 200 : index
    %swap3A_38 = arith.constant 0 : index
    %swap3A_39 = arith.constant 0 : index
    %swap3A_40 = vector.load %arg7[%swap3A, %swap3A_38, %swap3A_39] : memref<201x32x512xf32, #tpu.memory_space<vmem>>, vector<1x32x512xf32>
    tpu.vector_store %arg7[%swap3A, %swap3A_38, %swap3A_39], %broadcast_in_dim3A_37 {strides = array<i32>} : memref<201x32x512xf32, #tpu.memory_space<vmem>>, vector<1x32x512xf32>,
    %swap3A_41 = arith.constant 0 : index
    %swap3A_42 = arith.constant 0 : index
    %swap3A_43 = arith.constant 0 : index
    %swap3A_44 = vector.load %arg8[%swap3A_41, %swap3A_42, %swap3A_43] : memref<2x32x512xf32, #tpu.memory_space<vmem>>, vector<1x32x512xf32>
    %swap3A_45 = vector.shape_cast %swap3A_44 : vector<1x32x512xf32> to vector<32x512xf32>
    %swap3A_46 = vector.shape_cast %scan3A_4#0 : vector<32x512xf32> to vector<1x32x512xf32>
    tpu.vector_store %arg8[%swap3A_41, %swap3A_42, %swap3A_43], %swap3A_46 {strides = array<i32>} : memref<2x32x512xf32, #tpu.memory_space<vmem>>, vector<1x32x512xf32>,
    %swap3A_47 = arith.constant 1 : index
    %swap3A_48 = arith.constant 0 : index
    %swap3A_49 = arith.constant 0 : index
    %swap3A_50 = vector.load %arg8[%swap3A_47, %swap3A_48, %swap3A_49] : memref<2x32x512xf32, #tpu.memory_space<vmem>>, vector<1x32x512xf32>
    %swap3A_51 = vector.shape_cast %swap3A_50 : vector<1x32x512xf32> to vector<32x512xf32>
    %swap3A_52 = vector.shape_cast %mul3A_36 : vector<32x512xf32> to vector<1x32x512xf32>
    tpu.vector_store %arg8[%swap3A_47, %swap3A_48, %swap3A_49], %swap3A_52 {strides = array<i32>} : memref<2x32x512xf32, #tpu.memory_space<vmem>>, vector<1x32x512xf32>,
    %swap3A_53 = arith.constant 0 : index
    %swap3A_54 = arith.constant 0 : index
    %swap3A_55 = arith.constant 0 : index
    %swap3A_56 = vector.load %arg9[%swap3A_53, %swap3A_54, %swap3A_55] : memref<2x32x512xf32, #tpu.memory_space<vmem>>, vector<1x32x512xf32>
    %swap3A_57 = vector.shape_cast %swap3A_56 : vector<1x32x512xf32> to vector<32x512xf32>
    %swap3A_58 = vector.shape_cast %scan3A_4#2 : vector<32x512xf32> to vector<1x32x512xf32>
    tpu.vector_store %arg9[%swap3A_53, %swap3A_54, %swap3A_55], %swap3A_58 {strides = array<i32>} : memref<2x32x512xf32, #tpu.memory_space<vmem>>, vector<1x32x512xf32>,
    %swap3A_59 = arith.constant 1 : index
    %swap3A_60 = arith.constant 0 : index
    %swap3A_61 = arith.constant 0 : index
    %swap3A_62 = vector.load %arg9[%swap3A_59, %swap3A_60, %swap3A_61] : memref<2x32x512xf32, #tpu.memory_space<vmem>>, vector<1x32x512xf32>
    %swap3A_63 = vector.shape_cast %swap3A_62 : vector<1x32x512xf32> to vector<32x512xf32>
    %swap3A_64 = vector.shape_cast %add3A_34 : vector<32x512xf32> to vector<1x32x512xf32>
    tpu.vector_store %arg9[%swap3A_59, %swap3A_60, %swap3A_61], %swap3A_64 {strides = array<i32>} : memref<2x32x512xf32, #tpu.memory_space<vmem>>, vector<1x32x512xf32>,
    return
  }
}

</mosaic_0001>

<sc_bundles>
// kernel: kernel.4.cloned.1.call-start
scs
__scs_entry_jumppad:
0x0: {  	(pc) =	sbr.rel $0x88, $3  }
0x1: {  	(tag) =	ssettag $0x0;
	lr =	simm.s32 $0x1  }
0x2: {  	[smem:$0x3F96] =	sst lr;
	_ =	strace $0xD0000000  }
0x3: {  	_ = 	snop  }
0x4: {  	_ = 	snop  }
0x5: {  	_ = 	snop  }
0x6: {  	_ = 	snop  }
0x7: {  	_ = 	snop  }
__scs_overlays_trampoline_lowered:
0x8: {  	[smem:$0x3FA5] =	sst s0  }
0x9: {  	[smem:$0x3FA6] =	sst s1  }
0xa: {  	[smem:$0x3FA7] =	sst s2  }
0xb: {  	[smem:$0x3FA8] =	sst s3  }
0xc: {  	[smem:$0x3FA9] =	sst s4  }
0xd: {  	[smem:$0x3FAA] =	sst s5  }
0xe: {  	[smem:$0x3FAB] =	sst s6  }
0xf: {  	[smem:$0x3FAC] =	sst s7  }
0x10: {  	[smem:$0x3FAD] =	sst s8  }
0x11: {  	[smem:$0x3FAE] =	sst s9;
	s0 =	simm.s32 @!p0 $0x0  }
0x12: {  	s1 =	sld [smem:$0x3F94];
	s0 =	simm.s32 @p0 $0x1  }
0x13: {  	[smem:$0x3FAF] =	sst s0;
	s0 =	simm.s32 @!p1 $0x0  }
0x14: {  	s2 =	sld [smem:$0x3F93];
	s0 =	simm.s32 @p1 $0x1  }
0x15: {  	[smem:$0x3FB0] =	sst s0;
	s0 =	simm.s32 @!p2 $0x0  }
0x16: {  	s3 =	sld [smem:$0x3FDB];
	s0 =	simm.s32 @p2 $0x1  }
0x17: {  	s4 =	simm.s32 $0x1BF5;
	[smem:$0x3FB2] =	sst s0  }
0x18: {  	s0 =	sld [smem:$0x3F95];
	_ =	swait.ge [sflag:s4], $0x0  }
0x19: {  	s7 =	sld [smem:$0x3F96]  }
0x1a: {  	s8 =	sadd.s32 $0xFFFFE003, lr  }
0x1b: {  	s9 =	sadd.s32 $0xFFFFFEF7, lr;
	s5 =	simm.s32 $0xFFFFFFFF;
	p2 =	slt.u32 s8, $0xFFFFF086  }
0x1c: {  	p1 =	slt.u32 s9, $0xF7A;
	s5 =	simm.s32 @!p2 $0x0  }
0x1d: {  	s5 =	simm.s32 @p1 $0x1;
	p0 =	seq.s32 s7, s2  }
0x1e: {  	s7 =	smul.u32 @!p0 $0xF7A, s2;
	p2 =	seq.s32 @!p0 s5, $0x0  }
0x1f: {  	s9 =	smul.u32 $0xF7A, s1;
	s8 =	simm.s32 @!p0 $0x1BF5;
	p2 =	por !p2, p0  }
0x20: {  	[sflag:s8] =	ssyncset.s32 @!p0 $0xFFFFF086;
	s6 =	sadd.s32 @!p0 s3, s7;
	s7 =	simm.s32 @!p0 $0x108  }
0x21: {  	s3 =	sadd.s32 s3, s9;
	s6 =	sadd.s32 @!p0 $0x88, s6;
	s7 =	simm.s32 @p2 $0x1082  }
0x22: {  	[simem:s7], [sflag:s8] =	dma.local @!p0 [hbm:s6], $0xF7A  }
0x23: {  	s9 =	sor.u32 $0xD0000000, s2;
	s6 =	simm.s32 $0x108;
	_ =	swait.ge @!p0 [sflag:s8], $0x0  }
0x24: {  	s3 =	sadd.s32 $0x88, s3;
	s6 =	simm.s32 @!p1 $0x1082;
	[sflag:s4] =	ssyncset.s32 $0xFFFFF086  }
0x25: {  	[simem:s6], [sflag:s4] =	dma.local [hbm:s3], $0xF7A  }
0x26: {  	[smem:$0x3F96] =	sst s1;
	(tag) =	ssettag s2;
	_ =	strace s9  }
0x27: {  	s1 =	sld [smem:$0x3FA6]  }
0x28: {  	s2 =	sld [smem:$0x3FA7]  }
0x29: {  	s4 =	sld [smem:$0x3FA9]  }
0x2a: {  	p0 =	seq.s32 s5, $0x0;
	s5 =	sld [smem:$0x3FAA]  }
0x2b: {  	s6 =	sld [smem:$0x3FAB]  }
0x2c: {  	s7 =	sld [smem:$0x3FAC]  }
0x2d: {  	s3 =	simm.s32 $0x108;
	s8 =	sld [smem:$0x3FAD]  }
0x2e: {  	s3 =	simm.s32 @!p0 $0x1082;
	s9 =	sld [smem:$0x3FAE]  }
0x2f: {  	lr =	sadd.s32 s0, s3;
	s0 =	sld [smem:$0x3FA5]  }
0x30: {  	s3 =	sld [smem:$0x3FA8]  }
0x31: {  	[smem:$0x3FB1] =	sst s10  }
0x32: {  	s10 =	sld [smem:$0x3FAF];
	_ =	sdelay $0x3  }
0x33: {  	p0 =	seq.s32 s10, $0x1;
	s10 =	sld [smem:$0x3FB1];
	_ =	sdelay $0x3  }
0x34: {  	[smem:$0x3FB1] =	sst s10  }
0x35: {  	s10 =	sld [smem:$0x3FB0];
	_ =	sdelay $0x3  }
0x36: {  	p1 =	seq.s32 s10, $0x1;
	s10 =	sld [smem:$0x3FB1];
	_ =	sdelay $0x3  }
0x37: {  	[smem:$0x3FB1] =	sst s10  }
0x38: {  	s10 =	sld [smem:$0x3FB2]  }
0x39: {  	_ = 	snop;
	(pc) =	sbr.ind lr, $3  }
0x3a: {  	_ = 	snop  }
0x3b: {  	_ = 	snop  }
0x3c: {  	p2 =	seq.s32 s10, $0x1;
	s10 =	sld [smem:$0x3FB1]  }
0x3d: {  	_ =	shalt  }
0x3e: {  	_ =	shalt  }
0x3f: {  	_ =	shalt  }
0x40: {  	_ =	shalt  }
0x41: {  	_ =	shalt  }
0x42: {  	_ =	shalt  }
0x43: {  	_ =	shalt  }
0x44: {  	_ =	shalt  }
0x45: {  	_ =	shalt  }
0x46: {  	_ =	shalt  }
0x47: {  	_ =	shalt  }
0x48: {  	_ =	shalt  }
0x49: {  	_ =	shalt  }
0x4a: {  	_ =	shalt  }
0x4b: {  	_ =	shalt  }
0x4c: {  	_ =	shalt  }
0x4d: {  	_ =	shalt  }
0x4e: {  	_ =	shalt  }
0x4f: {  	_ =	shalt  }
0x50: {  	_ =	shalt  }
0x51: {  	_ =	shalt  }
0x52: {  	_ =	shalt  }
0x53: {  	_ =	shalt  }
0x54: {  	_ =	shalt  }
0x55: {  	_ =	shalt  }
0x56: {  	_ =	shalt  }
0x57: {  	_ =	shalt  }
0x58: {  	_ =	shalt  }
0x59: {  	_ =	shalt  }
0x5a: {  	_ =	shalt  }
0x5b: {  	_ =	shalt  }
0x5c: {  	_ =	shalt  }
0x5d: {  	_ =	shalt  }
0x5e: {  	_ =	shalt  }
0x5f: {  	_ =	shalt  }
0x60: {  	_ =	shalt  }
0x61: {  	_ =	shalt  }
0x62: {  	_ =	shalt  }
0x63: {  	_ =	shalt  }
0x64: {  	_ =	shalt  }
0x65: {  	_ =	shalt  }
0x66: {  	_ =	shalt  }
0x67: {  	_ =	shalt  }
0x68: {  	_ =	shalt  }
0x69: {  	_ =	shalt  }
0x6a: {  	_ =	shalt  }
0x6b: {  	_ =	shalt  }
0x6c: {  	_ =	shalt  }
0x6d: {  	_ =	shalt  }
0x6e: {  	_ =	shalt  }
0x6f: {  	_ =	shalt  }
0x70: {  	_ =	shalt  }
0x71: {  	_ =	shalt  }
0x72: {  	_ =	shalt  }
0x73: {  	_ =	shalt  }
0x74: {  	_ =	shalt  }
0x75: {  	_ =	shalt  }
0x76: {  	_ =	shalt  }
0x77: {  	_ =	shalt  }
0x78: {  	_ =	shalt  }
0x79: {  	_ =	shalt  }
0x7a: {  	_ =	shalt  }
0x7b: {  	_ =	shalt  }
0x7c: {  	_ =	shalt  }
0x7d: {  	_ =	shalt  }
0x7e: {  	_ =	shalt  }
0x7f: {  	_ =	shalt  }
0x80: {  	_ =	shalt  }
0x81: {  	_ =	shalt  }
0x82: {  	_ =	shalt  }
0x83: {  	_ =	shalt  }
0x84: {  	_ =	shalt  }
0x85: {  	_ =	shalt  }
0x86: {  	_ =	shalt  }
0x87: {  	_ =	shalt  }
.Lfunc_end0:
.L_simem_size_0:
called_computation_lowered:
.L_overlay_start_0:
0x88: {  	s2 =	sld [smem:$0x3FD9]  }
0x89: {  	s3 =	sld [smem:$0x3FFE];
	_ =	sdelay $0x1  }
0x8a: {  	s1 =	srdreg.scid  }
0x8b: {  	s0 =	sand.u32 $0x1, s1  }
0x8c: {  	s15 =	sshll.u32 s0, $0xA;
	s2 =	sadd.s32 s3, s2  }
0x8d: {  	s2 =	sadd.s32 s2, s15  }
0x8e: {  	[smem:$0x3FBD] =	sst s2  }
0x8f: {  	_ = 	snop  }
0x90: {  	s2 =	sld [smem:$0x3FD0];
	_ =	sdelay $0x2  }
0x91: {  	s4 =	simm.s32 $0xA;
	s5 =	simm.s32 $0x10;
	s16 =	sld [smem:$0x3FC7]  }
0x92: {  	[smem:s5], [sflag:s4] =	dma.local [hbm:s2], $0x1  }
0x93: {  	_ =	swait.eq [sflag:s4], $0x1  }
0x94: {  	[sflag:s4] =	ssyncset.done $0x0  }
0x95: {  	s17 =	sld [smem:$0x10];
	[sflag:s4] =	ssyncadd.s32 $0xFFFFFFFF  }
0x96: {  	s18 =	sld [smem:$0x12];
	(tm) =	ssettm $0x1  }
0x97: {  	s19 =	sld [smem:$0x3FFB];
	_ =	sdelay $0x3  }
0x98: {  	_ =	strace s19  }
0x99: {  	s5 =	sld [smem:$0x3FFC];
	_ =	sdelay $0x3  }
0x9a: {  	_ =	strace s5  }
0x9b: {  	s5 =	sld [smem:$0x3FFD];
	_ =	sdelay $0x3  }
0x9c: {  	_ =	strace s5  }
0x9d: {  	_ =	strace $0x8FFFFFFF  }
0x9e: {  	s20 =	sld [smem:$0x3FDB];
	_ =	sdelay $0x1  }
0x9f: {  	s6 =	simm.s32 $_scs_section_size  }
0xa0: {  	s7 =	simm.s32 $_size__tile_overlayer_lowered;
	s8 =	simm.s32 $_tile_overlayer_lowered  }
0xa1: {  	s23 =	simm.s32 $0x1BFF;
	s22 =	sshll.u32 s8, $0x1;
	s5 =	sadd.s32 s6, s20  }
0xa2: {  	s9 =	simm.s32 $0x0;
	s21 =	sshll.u32 s7, $0x1;
	s7 =	sadd.s32 s22, s5  }
0xa3: {  	[timem:s9], [sflag:s23] =	dma.local [hbm:s7], s21  }
0xa4: {  	_ =	swait.ge [sflag:s23], s21  }
0xa5: {  	s6 =	ssub.s32 $0x0, s21;
	[sflag:s23] =	ssyncset.done $0x0  }
0xa6: {  	[sflag:s23] =	ssyncadd.s32 s6;
	_ =	sdelay $0x1  }
0xa7: {  	s24 =	simm.s32 $0x1B8B  }
0xa8: {  	_ =	swait.ge [sflag:s24], $0x1  }
0xa9: {  	[sflag:s24] =	ssyncset.done $0x0  }
0xaa: {  	s25 =	simm.s32 $0x1B8E;
	[sflag:s24] =	ssyncadd.s32 $0xFFFFFFFF  }
0xab: {  	s26 =	simm.s32 $execute0_lowered;
	[smem:$0x3FD2] =	sst s25  }
0xac: {  	s6 =	sshll.u32 s26, $0x1;
	_ =	strace $0x80000046;
	[dreg:$0x1] =	wrdreg $0xFFFFFFFF  }
0xad: {  	s28 =	simm.s32 $_size_execute0_lowered;
	s5 =	sadd.s32 s5, s6;
	[dreg:$0x0] =	wrdreg $0x0  }
0xae: {  	s6 =	sshll.u32 s28, $0x1;
	[dreg:$0x2] =	wrdreg s5  }
0xaf: {  	[dreg:$0x3] =	wrdreg s6  }
0xb0: {  	[dreg:$0x4] =	wrdreg $0xC0  }
0xb1: {  	_ =	task [dreg:s9], $0x5FFFF  }
0xb2: {  	[dreg:$0x1] =	wrdreg $0xFFFFFFFF  }
0xb3: {  	[dreg:$0x0] =	wrdreg $0x60  }
0xb4: {  	[dreg:$0x2] =	wrdreg s16  }
0xb5: {  	[dreg:$0x3] =	wrdreg s18  }
0xb6: {  	[dreg:$0x4] =	wrdreg s17  }
0xb7: {  	[dreg:$0x5] =	wrdreg $0x9  }
0xb8: {  	_ =	task.clear_ibuf [dreg:s9], $0x6FFFF;
	_ =	strace $0x90000046  }
0xb9: {  	s29 =	simm.s32 $0x9;
	_ =	strace $0x80000048  }
0xba: {  	_ =	swait.ge [sflag:s29], $0x1  }
0xbb: {  	[sflag:s29] =	ssyncadd.s32 $0xFFFFFFFF  }
0xbc: {  	_ =	strace $0x90000048  }
0xbd: {  	_ =	sfence  }
0xbe: {  	s30 =	sld [smem:$0x0];
	_ =	sdelay $0x2  }
0xbf: {  	s31 =	sshll.u32 s1, $0xD;
	s1 =	sshrl.u32 s1, $0x2  }
0xc0: {  	s3 =	sand.u32 $0x4000, s31;
	s1 =	sadd.s32 s1, s30  }
0xc1: {  	s0 =	sor.u32 s3, s0;
	s1 =	sshll.u32 s1, $0x11  }
0xc2: {  	s0 =	sor.u32 s1, s0  }
0xc3: {  	s0 =	sadd.s32 $0x8F2B, s0  }
0xc4: {  	[sflag:s0] =	ssyncadd.remote.s32 $0x1  }
0xc5: {  	_ =	sfence.sel $0xFFFF  }
0xc6: {  	[dreg:$0x0] =	wrdreg $0xFFFFFFFF;
	(pc) =	sbr.abs _section_cstart, $3  }
0xc7: {  	[dreg:$0x1] =	wrdreg $0xFFFFFFFF  }
0xc8: {  	_ =	task.clear_ibuf [dreg:s9], $0x2FFFF;
	_ =	strace $0x9FFFFFFF  }
0xc9: {  	(tm) =	ssettm $0x7FFFFFFF  }
tec
execute0_lowered:
.L_overlay_start_1:
0x0: {  	(tag) =	ssettag $0x1  }
0x1: {  	s2 =	rddreg [dreg:$0x0]  }
0x2: {  	s4 =	rddreg [dreg:$0x1]  }
0x3: {  	s1 =	srdreg.scid;
	s0 =	stileid.u32  }
0x4: {  	s11 =	rddreg [dreg:$0x2];
	s12 =	sand.u32 $0x1, s1;
	s5 =	sshll.u32 s0, $0x1  }
0x5: {  	s3 =	simm.s32 $0x0;
	s1 =	rddreg [dreg:$0x3];
	s13 =	sor.u32 s12, s5  }
0x6: {  	[smem:$0x7FF] =	sst s3;
	s5 =	sshll.u32 s13, $0x5  }
0x7: {  	_ =	strace $0x80000047;
	s5 =	sadd.s32 s4, s5;
	s4 =	simm.s32 $0x2  }
0x8: {  	[tilespmem:s3], [sflag:$0x2] =	stream.linear.gather [hbm4b:s5+s3], $0x100, $0x38;
	[tilespmem:$0x6900] =	vst v63  }
0x9: {  	_ =	swait.ge [sflag:s4], $0x100  }
0xa: {  	s6 =	simm.s32 $0x68;
	[sflag:s4] =	ssyncset.done $0x0  }
0xb: {  	s7 =	simm.s32 $0x100;
	s8 =	simm.s32 $0x80;
	[sflag:s4] =	ssyncadd.s32 $0xFFFFFF00  }
0xc: {  	[tilespmem:s7], [sflag:$0x1] =	stream.indirect.gather [hbm4b:s2+s6], $0x80, s3, s6, $0xb8;
	[tilespmem:$0x6900] =	vst v63  }
0xd: {  	s9 =	simm.s32 $0x3500;
	s10 =	simm.s32 $0x1;
	s12 =	ssub.s32 $0x2, s12  }
0xe: {  	[tilespmem:s9], [sflag:$0x1] =	stream.indirect.gather [hbm4b:s2+s6], $0x80, s8, s6, $0xb8;
	[tilespmem:$0x6900] =	vst v63  }
0xf: {  	s14 =	sshrl.u32 s12, $0x1;
	_ =	swait.ge [sflag:s10], $0x3400  }
0x10: {  	s12 =	ssub.s32 s12, s14;
	[sflag:s10] =	ssyncset.done $0x0  }
0x11: {  	s12 =	smax.u32 s12, $0x1;
	[sflag:s10] =	ssyncadd.s32 $0xFFFFCC00  }
0x12: {  	s13 =	smul.u32 $0xD00, s13;
	p0 =	sne.s32 s12, $0x1;
	_ =	swait.ge [sflag:s10], $0x3400  }
.Ltmp0:
0x13: {  	[sflag:s10] =	ssyncset.done $0x0;
	(pc) =	sbr.rel @!p0 .LBB2_2-.Ltmp0, $4  }
0x14: {  	s11 =	sadd.s32 s11, s13;
	[sflag:s10] =	ssyncadd.s32 $0xFFFFCC00  }
0x15: {  	[hbm4b:s11+s3] =	stream.linear.scatter [tilespmem:s7], [sflag:$0x2], $0x6800, $0x38;
	[tilespmem:$0x6900] =	vst v63  }
0x16: {  	_ =	swait.ge [sflag:s4], $0x6800  }
0x17: {  	s12 =	sadd.s32 $0xFFFFFFFF, s12;
	[sflag:s4] =	ssyncset.done $0x0  }
.LBB2_1:
0x18: {  	p0 =	sne.s32 s12, $0x1;
	s12 =	sadd.s32 $0xFFFFFFFF, s12;
	[sflag:s4] =	ssyncadd.s32 $0xFFFF9800  }
0x19: {  	[tilespmem:s3], [sflag:$0x2] =	stream.linear.gather [hbm4b:s5+s3], $0x100, $0x38;
	[tilespmem:$0x6900] =	vst v63  }
0x1a: {  	_ =	swait.ge [sflag:s4], $0x100  }
0x1b: {  	[sflag:s4] =	ssyncset.done $0x0  }
0x1c: {  	[sflag:s4] =	ssyncadd.s32 $0xFFFFFF00  }
0x1d: {  	[tilespmem:s7], [sflag:$0x1] =	stream.indirect.gather [hbm4b:s2+s6], $0x80, s3, s6, $0xb8;
	[tilespmem:$0x6900] =	vst v63  }
0x1e: {  	_ = 	snop  }
0x1f: {  	[tilespmem:s9], [sflag:$0x1] =	stream.indirect.gather [hbm4b:s2+s6], $0x80, s8, s6, $0xb8;
	[tilespmem:$0x6900] =	vst v63  }
0x20: {  	_ =	swait.ge [sflag:s10], $0x3400  }
0x21: {  	[sflag:s10] =	ssyncset.done $0x0  }
0x22: {  	[sflag:s10] =	ssyncadd.s32 $0xFFFFCC00  }
0x23: {  	_ =	swait.ge [sflag:s10], $0x3400  }
.Ltmp1:
0x24: {  	[sflag:s10] =	ssyncset.done $0x0;
	(pc) =	sbr.rel @p0 .LBB2_1-.Ltmp1, $4  }
0x25: {  	[sflag:s10] =	ssyncadd.s32 $0xFFFFCC00  }
0x26: {  	[hbm4b:s11+s3] =	stream.linear.scatter [tilespmem:s7], [sflag:$0x2], $0x6800, $0x38;
	[tilespmem:$0x6900] =	vst v63  }
0x27: {  	_ =	swait.ge [sflag:s4], $0x6800  }
0x28: {  	[sflag:s4] =	ssyncset.done $0x0  }
.LBB2_2:
0x29: {  	[sflag:s4] =	ssyncadd.s32 $0xFFFF9800  }
0x2a: {  	_ =	sfence.sel $0x180000  }
0x2b: {  	[bflag:$0x0] =	sbarrier.arrive $0xFFFF  }
0x2c: {  	p0 =	sne.s32 s0, $0x0;
	_ =	strace $0x90000047  }
0x2d: {  	s0 =	sadd.s32 @!p0 $0x100000, s1;
	[bflag:$0x2] =	sbarrier.arrive $0xFFFF  }
0x2e: {  	[sflag:s0] =	ssyncadd.tile.s32 @!p0 $0x1;
	_ =	shalt  }
.Lfunc_end2:
_tile_overlayer_lowered:
.L_overlay_start_2:
0x2f: {  	(tag) =	ssettag $0x2  }
0x30: {  	s0 =	rddreg [dreg:$0x0];
	s2 =	stileid.u32  }
0x31: {  	s1 =	rddreg [dreg:$0x1];
	p0 =	sne.s32 s2, $0x0  }
0x32: {  	s3 =	rddreg [dreg:$0x2];
	[bflag:$0x3] =	sbarrier.arrive $0xFFFF;
	s2 =	simm.s32 @!p0 $0x1C02  }
0x33: {  	[timem:s3], [sflag:s2] =	dma.local @!p0 [hbm:s0], s1  }
0x34: {  	s0 =	simm.s32 @!p0 $0x2  }
0x35: {  	_ =	swait.ge @!p0 [sflag:s0], s1  }
0x36: {  	s1 =	ssub.s32 @!p0 $0x0, s1;
	[sflag:s0] =	ssyncset.done @!p0 $0x0  }
0x37: {  	[sflag:s0] =	ssyncadd.s32 @!p0 s1  }
0x38: {  	[bflag:$0x3] =	sbarrier.arrive $0xFFFF  }
0x39: {  	_ =	shalt  }

</sc_bundles>
